<compile_context>
chip_gen: v7x
topology: tpu7x:2x2x1
jax: 0.10.2.dev20260603
libtpu: 0.0.44.dev20260713+nightly
codegen_flags: <defaults>
</compile_context>

<pallas_src>
import functools

import jax
import jax.numpy as jnp
from jax import lax
from jax.experimental import pallas as pl
from jax.experimental.pallas import tpu as pltpu
from jax.experimental.pallas import tpu_sc as plsc


def _round_up(x, m):
    return (x + m - 1) // m * m


def kernel(atoms, bond_graph, atom_kind_ohe, atom_mass_lookup):
    N, K = bond_graph.shape
    W = atom_kind_ohe.shape[1]

    info = plsc.get_sparse_core_info()
    NC, NS, L = info.num_cores, info.num_subcores, info.num_lanes
    NW = NC * NS

    assert N % L == 0
    n_chunks = N // L
    J = -(-n_chunks // NW)
    C = J * L

    atoms_flat = atoms.reshape(-1).astype(jnp.int32)
    bg = bond_graph.astype(jnp.int32)
    ohe_flat = atom_kind_ohe.reshape(-1).astype(jnp.float32)
    ohe_p = jnp.zeros((_round_up(ohe_flat.shape[0], L),), jnp.float32).at[
        : ohe_flat.shape[0]
    ].set(ohe_flat)
    mass_p = jnp.zeros((_round_up(atom_mass_lookup.shape[0], L),), jnp.int32).at[
        : atom_mass_lookup.shape[0]
    ].set(atom_mass_lookup.astype(jnp.int32))

    mesh = plsc.VectorSubcoreMesh(core_axis_name="c", subcore_axis_name="s")

    @functools.partial(
        pl.kernel,
        mesh=mesh,
        out_type=jax.ShapeDtypeStruct((N, 7), jnp.float32),
        compiler_params=pltpu.CompilerParams(needs_layout_passes=False),
        scratch_types=[
            pltpu.VMEM((N,), jnp.int32),
            pltpu.VMEM((C, K), jnp.int32),
            pltpu.VMEM((C, 7), jnp.float32),
            pltpu.VMEM(ohe_p.shape, jnp.float32),
            pltpu.VMEM(mass_p.shape, jnp.int32),
            pltpu.SemaphoreType.DMA,
        ],
    )
    def run(atoms_hbm, bg_hbm, ohe_hbm, mass_hbm, out_hbm,
            atoms_v, bg_v, out_v, ohe_v, mass_v, sem):
        wid = lax.axis_index("s") * NC + lax.axis_index("c")
        base = jnp.minimum(wid * C, N - C)

        c1 = pltpu.make_async_copy(atoms_hbm, atoms_v, sem)
        c2 = pltpu.make_async_copy(bg_hbm.at[pl.ds(base, C)], bg_v, sem)
        c3 = pltpu.make_async_copy(ohe_hbm, ohe_v, sem)
        c4 = pltpu.make_async_copy(mass_hbm, mass_v, sem)
        c1.start(); c2.start(); c3.start(); c4.start()
        c1.wait(); c2.wait(); c3.wait(); c4.wait()

        lane = lax.iota(jnp.int32, L)
        deg = jnp.full((L,), float(K) / 4.0, jnp.float32)

        @plsc.parallel_loop(0, C, L, unroll=1)
        def _(off):
            r = off + lane
            a = atoms_v[pl.ds(base + off, L)]
            aw = a * W
            for c in range(W):
                col = plsc.load_gather(ohe_v, [aw + c])
                plsc.store_scatter(out_v, [r, jnp.full((L,), c, jnp.int32)], col)
            m = plsc.load_gather(mass_v, [a]).astype(jnp.float32) * (1.0 / 16.0)
            plsc.store_scatter(out_v, [r, jnp.full((L,), W, jnp.int32)], m)
            plsc.store_scatter(out_v, [r, jnp.full((L,), W + 1, jnp.int32)], deg)
            na = []
            for k in range(K):
                nb = plsc.load_gather(bg_v, [r, jnp.full((L,), k, jnp.int32)])
                na.append((plsc.load_gather(atoms_v, [nb]) == 1).astype(jnp.int32))
            h = (na[0] + na[1]) + (na[2] + na[3]) if K == 4 else sum(na)
            plsc.store_scatter(out_v, [r, jnp.full((L,), W + 2, jnp.int32)],
                               h.astype(jnp.float32) * 0.25)

        pltpu.sync_copy(out_v, out_hbm.at[pl.ds(base, C)])

    return run(atoms_flat, bg, ohe_p, mass_p)

# --- scband reference (transcript-rebuilt; emitter-appended) ---
"""Pipeline reference for scband-atomic-information-43696997269801 (READ-ONLY COPY).

The authoritative reference and input builder live on the scoring server;
editing this copy changes nothing except your own understanding.
"""

import jax, jax.numpy as jnp
import numpy as np


def _build_tables():
    atom_type_rows = {1: 0, 6: 1, 7: 2, 8: 3}
    ohe = np.zeros((9, 4), dtype=np.float32)
    for k, v in atom_type_rows.items():
        ohe[k, v] = 1.0
    # NOTE: torch.full((n,), -1) infers int64, so float masses are truncated on assignment.
    masses = {1: 1.008, 6: 12.001, 7: 14.007, 8: 15.999}
    mass = np.full((9,), -1, dtype=np.int64)
    for k, v in masses.items():
        mass[k] = int(v)  # truncation matches torch int-buffer assignment
    return jnp.asarray(ohe), jnp.asarray(mass.astype(np.int32))


def setup_inputs(seed: int = 0) -> dict:
    key = jax.random.key(seed)
    N, K = 10000, 4
    # all atoms are hydrogen (atomic number 1) so the allowed-set assert passes
    atoms = jnp.ones((N,), dtype=jnp.int32)
    bond_graph = jax.random.randint(jax.random.fold_in(key, 1), (N, K), 0, N, dtype=jnp.int32)
    atom_kind_ohe, atom_mass_lookup = _build_tables()
    return {
        "atoms": atoms,
        "bond_graph": bond_graph,
        "atom_kind_ohe": atom_kind_ohe,
        "atom_mass_lookup": atom_mass_lookup,
    }


def reference(atoms, bond_graph, atom_kind_ohe, atom_mass_lookup):
    atoms = atoms.reshape(-1).astype(jnp.int32)
    # gather: one-hot atom kind rows
    atom_kinds = jnp.take(atom_kind_ohe, atoms, axis=0)
    # gather: (integer-truncated) atomic mass, normalized
    atom_masses = (jnp.take(atom_mass_lookup, atoms).astype(jnp.float32))[:, None] / 16.0
    n, k = bond_graph.shape
    # every row of the bond graph has exactly k neighbors
    degree = jnp.full((n, 1), float(k), dtype=jnp.float32) / 4.0
    # gather neighbor atomic numbers, count hydrogens per atom
    neighbor_atoms = jnp.take(atoms, bond_graph, axis=0)
    hydrogen_count = (neighbor_atoms == 1).sum(axis=1).astype(jnp.float32)[:, None] / 4.0
    return jnp.concatenate((atom_kinds, atom_masses, degree, hydrogen_count), axis=1)

if __name__ == "__main__":
    import jax
    _d = setup_inputs()
    print(jax.jit(kernel)(*tuple(_d.values())))

</pallas_src>

<mosaic_0001>
#map = affine_map<(d0, d1) -> (0)>
#map1 = affine_map<(d0, d1) -> (0, 0)>
module attributes {stable_mosaic.version = 14 : i64} {
  func.func @run(%arg0: i32, %arg1: i32, %arg2: memref<10000xi32, #tpu.memory_space<hbm>>, %arg3: memref<10000x4xi32, #tpu.memory_space<hbm>>, %arg4: memref<48xf32, #tpu.memory_space<hbm>>, %arg5: memref<16xi32, #tpu.memory_space<hbm>>, %arg6: memref<10000x7xf32, #tpu.memory_space<hbm>>, %arg7: memref<10000xi32, #tpu.memory_space<vmem>>, %arg8: memref<320x4xi32, #tpu.memory_space<vmem>>, %arg9: memref<320x7xf32, #tpu.memory_space<vmem>>, %arg10: memref<48xf32, #tpu.memory_space<vmem>>, %arg11: memref<16xi32, #tpu.memory_space<vmem>>, %arg12: memref<!tpu.dma_semaphore, #tpu.memory_space<semaphore_mem>>) attributes {dimension_semantics = [#tpu.dimension_semantics<core_parallel>, #tpu.dimension_semantics<subcore_parallel>], iteration_bounds = array<i64: 2, 16>, scalar_prefetch = 0 : i64, scratch_operands = 6 : i64, tpu.core_type = #tpu.core_type<sc_vector_subcore>, window_params = [{transform_indices = #map}, {transform_indices = #map1}, {transform_indices = #map}, {transform_indices = #map}, {transform_indices = #map1}]} {
    %mul3A = arith.constant 2 : i32
    %mul3A_0 = arith.muli %arg1, %mul3A : i32
    %add3A = arith.addi %mul3A_0, %arg0 : i32
    %mul3A_1 = arith.constant 320 : i32
    %mul3A_2 = arith.muli %add3A, %mul3A_1 : i32
    %min3A = arith.constant 9680 : i32
    %min3A_3 = arith.minsi %mul3A_2, %min3A : i32
    tpu.enqueue_dma source(%arg2 : memref<10000xi32, #tpu.memory_space<hbm>>) target(%arg7 : memref<10000xi32, #tpu.memory_space<vmem>>) target_semaphore(%arg12 : memref<!tpu.dma_semaphore, #tpu.memory_space<semaphore_mem>>)
    %dma_start3A = arith.constant 0 : i32
    %dma_start3A_4 = tpu.memref_slice %arg3[%min3A_3, %dma_start3A] : memref<10000x4xi32, #tpu.memory_space<hbm>> -> memref<320x4xi32, #tpu.memory_space<hbm>>
    %dma_start3A_5 = arith.constant 0 : i32
    %dma_start3A_6 = tpu.memref_slice %arg3[%min3A_3, %dma_start3A_5] : memref<10000x4xi32, #tpu.memory_space<hbm>> -> memref<320x4xi32, #tpu.memory_space<hbm>>
    tpu.enqueue_dma source(%dma_start3A_6 : memref<320x4xi32, #tpu.memory_space<hbm>>) target(%arg8 : memref<320x4xi32, #tpu.memory_space<vmem>>) target_semaphore(%arg12 : memref<!tpu.dma_semaphore, #tpu.memory_space<semaphore_mem>>)
    tpu.enqueue_dma source(%arg4 : memref<48xf32, #tpu.memory_space<hbm>>) target(%arg10 : memref<48xf32, #tpu.memory_space<vmem>>) target_semaphore(%arg12 : memref<!tpu.dma_semaphore, #tpu.memory_space<semaphore_mem>>)
    tpu.enqueue_dma source(%arg5 : memref<16xi32, #tpu.memory_space<hbm>>) target(%arg11 : memref<16xi32, #tpu.memory_space<vmem>>) target_semaphore(%arg12 : memref<!tpu.dma_semaphore, #tpu.memory_space<semaphore_mem>>)
    tpu.wait_dma2 semaphore(%arg12 : memref<!tpu.dma_semaphore, #tpu.memory_space<semaphore_mem>>) src(%arg2 : memref<10000xi32, #tpu.memory_space<hbm>>) dst(%arg7 : memref<10000xi32, #tpu.memory_space<vmem>>)
    %dma_wait3A = arith.constant 0 : i32
    %dma_wait3A_7 = tpu.memref_slice %arg3[%min3A_3, %dma_wait3A] : memref<10000x4xi32, #tpu.memory_space<hbm>> -> memref<320x4xi32, #tpu.memory_space<hbm>>
    %dma_wait3A_8 = arith.constant 0 : i32
    %dma_wait3A_9 = tpu.memref_slice %arg3[%min3A_3, %dma_wait3A_8] : memref<10000x4xi32, #tpu.memory_space<hbm>> -> memref<320x4xi32, #tpu.memory_space<hbm>>
    tpu.wait_dma2 semaphore(%arg12 : memref<!tpu.dma_semaphore, #tpu.memory_space<semaphore_mem>>) src(%dma_wait3A_9 : memref<320x4xi32, #tpu.memory_space<hbm>>) dst(%arg8 : memref<320x4xi32, #tpu.memory_space<vmem>>)
    tpu.wait_dma2 semaphore(%arg12 : memref<!tpu.dma_semaphore, #tpu.memory_space<semaphore_mem>>) src(%arg4 : memref<48xf32, #tpu.memory_space<hbm>>) dst(%arg10 : memref<48xf32, #tpu.memory_space<vmem>>)
    tpu.wait_dma2 semaphore(%arg12 : memref<!tpu.dma_semaphore, #tpu.memory_space<semaphore_mem>>) src(%arg5 : memref<16xi32, #tpu.memory_space<hbm>>) dst(%arg11 : memref<16xi32, #tpu.memory_space<vmem>>)
    %iota3A = tpu.iota {dimensions = array<i32: 0>} : vector<16xi32>
    %broadcast_in_dim3A = arith.constant 1.000000e+00 : f32
    %broadcast_in_dim3A_10 = vector.broadcast %broadcast_in_dim3A : f32 to vector<16xf32>
    %parallel_loop3A = arith.constant 0 : i32
    %parallel_loop3A_11 = arith.constant 320 : i32
    %parallel_loop3A_12 = arith.constant 16 : i32
    scf.for %parallel_loop3A_13 = %parallel_loop3A to %parallel_loop3A_11 step %parallel_loop3A_12  : i32 {
      %parallel_loop3A_14 = vector.broadcast %parallel_loop3A_13 : i32 to vector<16xi32>
      %parallel_loop3A_15 = arith.addi %parallel_loop3A_14, %iota3A : vector<16xi32>
      %parallel_loop3A_16 = arith.addi %min3A_3, %parallel_loop3A_13 : i32
      %parallel_loop3A_17 = arith.index_cast %parallel_loop3A_16 : i32 to index
      %parallel_loop3A_18 = tpu.vector_load %arg7[%parallel_loop3A_17] {strides = array<i32>} : memref<10000xi32, #tpu.memory_space<vmem>>, vector<16xi32>,
      %parallel_loop3A_19 = arith.constant 4 : i32
      %parallel_loop3A_20 = vector.broadcast %parallel_loop3A_19 : i32 to vector<16xi32>
      %parallel_loop3A_21 = arith.muli %parallel_loop3A_18, %parallel_loop3A_20 : vector<16xi32>
      %parallel_loop3A_22 = arith.constant 0 : i32
      %parallel_loop3A_23 = vector.broadcast %parallel_loop3A_22 : i32 to vector<16xi32>
      %parallel_loop3A_24 = arith.addi %parallel_loop3A_21, %parallel_loop3A_23 : vector<16xi32>
      %parallel_loop3A_25 = tpu.vector_load_idx %arg10[%parallel_loop3A_24] : memref<48xf32, #tpu.memory_space<vmem>>[vector<16xi32>], vector<16xf32>,
      %parallel_loop3A_26 = arith.constant 0 : i32
      %parallel_loop3A_27 = vector.broadcast %parallel_loop3A_26 : i32 to vector<16xi32>
      tpu.vector_store_idx %arg9[%parallel_loop3A_15, %parallel_loop3A_27], %parallel_loop3A_25 : memref<320x7xf32, #tpu.memory_space<vmem>>[vector<16xi32>, vector<16xi32>], vector<16xf32>,
      %parallel_loop3A_28 = arith.constant 1 : i32
      %parallel_loop3A_29 = vector.broadcast %parallel_loop3A_28 : i32 to vector<16xi32>
      %parallel_loop3A_30 = arith.addi %parallel_loop3A_21, %parallel_loop3A_29 : vector<16xi32>
      %parallel_loop3A_31 = tpu.vector_load_idx %arg10[%parallel_loop3A_30] : memref<48xf32, #tpu.memory_space<vmem>>[vector<16xi32>], vector<16xf32>,
      %parallel_loop3A_32 = arith.constant 1 : i32
      %parallel_loop3A_33 = vector.broadcast %parallel_loop3A_32 : i32 to vector<16xi32>
      tpu.vector_store_idx %arg9[%parallel_loop3A_15, %parallel_loop3A_33], %parallel_loop3A_31 : memref<320x7xf32, #tpu.memory_space<vmem>>[vector<16xi32>, vector<16xi32>], vector<16xf32>,
      %parallel_loop3A_34 = arith.constant 2 : i32
      %parallel_loop3A_35 = vector.broadcast %parallel_loop3A_34 : i32 to vector<16xi32>
      %parallel_loop3A_36 = arith.addi %parallel_loop3A_21, %parallel_loop3A_35 : vector<16xi32>
      %parallel_loop3A_37 = tpu.vector_load_idx %arg10[%parallel_loop3A_36] : memref<48xf32, #tpu.memory_space<vmem>>[vector<16xi32>], vector<16xf32>,
      %parallel_loop3A_38 = arith.constant 2 : i32
      %parallel_loop3A_39 = vector.broadcast %parallel_loop3A_38 : i32 to vector<16xi32>
      tpu.vector_store_idx %arg9[%parallel_loop3A_15, %parallel_loop3A_39], %parallel_loop3A_37 : memref<320x7xf32, #tpu.memory_space<vmem>>[vector<16xi32>, vector<16xi32>], vector<16xf32>,
      %parallel_loop3A_40 = arith.constant 3 : i32
      %parallel_loop3A_41 = vector.broadcast %parallel_loop3A_40 : i32 to vector<16xi32>
      %parallel_loop3A_42 = arith.addi %parallel_loop3A_21, %parallel_loop3A_41 : vector<16xi32>
      %parallel_loop3A_43 = tpu.vector_load_idx %arg10[%parallel_loop3A_42] : memref<48xf32, #tpu.memory_space<vmem>>[vector<16xi32>], vector<16xf32>,
      %parallel_loop3A_44 = arith.constant 3 : i32
      %parallel_loop3A_45 = vector.broadcast %parallel_loop3A_44 : i32 to vector<16xi32>
      tpu.vector_store_idx %arg9[%parallel_loop3A_15, %parallel_loop3A_45], %parallel_loop3A_43 : memref<320x7xf32, #tpu.memory_space<vmem>>[vector<16xi32>, vector<16xi32>], vector<16xf32>,
      %parallel_loop3A_46 = tpu.vector_load_idx %arg11[%parallel_loop3A_18] : memref<16xi32, #tpu.memory_space<vmem>>[vector<16xi32>], vector<16xi32>,
      %parallel_loop3A_47 = arith.sitofp %parallel_loop3A_46 : vector<16xi32> to vector<16xf32>
      %parallel_loop3A_48 = arith.constant 6.250000e-02 : f32
      %parallel_loop3A_49 = vector.broadcast %parallel_loop3A_48 : f32 to vector<16xf32>
      %parallel_loop3A_50 = arith.mulf %parallel_loop3A_47, %parallel_loop3A_49 : vector<16xf32>
      %parallel_loop3A_51 = arith.constant 4 : i32
      %parallel_loop3A_52 = vector.broadcast %parallel_loop3A_51 : i32 to vector<16xi32>
      tpu.vector_store_idx %arg9[%parallel_loop3A_15, %parallel_loop3A_52], %parallel_loop3A_50 : memref<320x7xf32, #tpu.memory_space<vmem>>[vector<16xi32>, vector<16xi32>], vector<16xf32>,
      %parallel_loop3A_53 = arith.constant 5 : i32
      %parallel_loop3A_54 = vector.broadcast %parallel_loop3A_53 : i32 to vector<16xi32>
      tpu.vector_store_idx %arg9[%parallel_loop3A_15, %parallel_loop3A_54], %broadcast_in_dim3A_10 : memref<320x7xf32, #tpu.memory_space<vmem>>[vector<16xi32>, vector<16xi32>], vector<16xf32>,
      %parallel_loop3A_55 = arith.constant 0 : i32
      %parallel_loop3A_56 = vector.broadcast %parallel_loop3A_55 : i32 to vector<16xi32>
      %parallel_loop3A_57 = tpu.vector_load_idx %arg8[%parallel_loop3A_15, %parallel_loop3A_56] : memref<320x4xi32, #tpu.memory_space<vmem>>[vector<16xi32>, vector<16xi32>], vector<16xi32>,
      %parallel_loop3A_58 = tpu.vector_load_idx %arg7[%parallel_loop3A_57] : memref<10000xi32, #tpu.memory_space<vmem>>[vector<16xi32>], vector<16xi32>,
      %parallel_loop3A_59 = arith.constant 1 : i32
      %parallel_loop3A_60 = vector.broadcast %parallel_loop3A_59 : i32 to vector<16xi32>
      %parallel_loop3A_61 = arith.cmpi eq, %parallel_loop3A_58, %parallel_loop3A_60 : vector<16xi32>
      %parallel_loop3A_62 = arith.extui %parallel_loop3A_61 : vector<16xi1> to vector<16xi32>
      %parallel_loop3A_63 = arith.constant 1 : i32
      %parallel_loop3A_64 = vector.broadcast %parallel_loop3A_63 : i32 to vector<16xi32>
      %parallel_loop3A_65 = tpu.vector_load_idx %arg8[%parallel_loop3A_15, %parallel_loop3A_64] : memref<320x4xi32, #tpu.memory_space<vmem>>[vector<16xi32>, vector<16xi32>], vector<16xi32>,
      %parallel_loop3A_66 = tpu.vector_load_idx %arg7[%parallel_loop3A_65] : memref<10000xi32, #tpu.memory_space<vmem>>[vector<16xi32>], vector<16xi32>,
      %parallel_loop3A_67 = arith.constant 1 : i32
      %parallel_loop3A_68 = vector.broadcast %parallel_loop3A_67 : i32 to vector<16xi32>
      %parallel_loop3A_69 = arith.cmpi eq, %parallel_loop3A_66, %parallel_loop3A_68 : vector<16xi32>
      %parallel_loop3A_70 = arith.extui %parallel_loop3A_69 : vector<16xi1> to vector<16xi32>
      %parallel_loop3A_71 = arith.constant 2 : i32
      %parallel_loop3A_72 = vector.broadcast %parallel_loop3A_71 : i32 to vector<16xi32>
      %parallel_loop3A_73 = tpu.vector_load_idx %arg8[%parallel_loop3A_15, %parallel_loop3A_72] : memref<320x4xi32, #tpu.memory_space<vmem>>[vector<16xi32>, vector<16xi32>], vector<16xi32>,
      %parallel_loop3A_74 = tpu.vector_load_idx %arg7[%parallel_loop3A_73] : memref<10000xi32, #tpu.memory_space<vmem>>[vector<16xi32>], vector<16xi32>,
      %parallel_loop3A_75 = arith.constant 1 : i32
      %parallel_loop3A_76 = vector.broadcast %parallel_loop3A_75 : i32 to vector<16xi32>
      %parallel_loop3A_77 = arith.cmpi eq, %parallel_loop3A_74, %parallel_loop3A_76 : vector<16xi32>
      %parallel_loop3A_78 = arith.extui %parallel_loop3A_77 : vector<16xi1> to vector<16xi32>
      %parallel_loop3A_79 = arith.constant 3 : i32
      %parallel_loop3A_80 = vector.broadcast %parallel_loop3A_79 : i32 to vector<16xi32>
      %parallel_loop3A_81 = tpu.vector_load_idx %arg8[%parallel_loop3A_15, %parallel_loop3A_80] : memref<320x4xi32, #tpu.memory_space<vmem>>[vector<16xi32>, vector<16xi32>], vector<16xi32>,
      %parallel_loop3A_82 = tpu.vector_load_idx %arg7[%parallel_loop3A_81] : memref<10000xi32, #tpu.memory_space<vmem>>[vector<16xi32>], vector<16xi32>,
      %parallel_loop3A_83 = arith.constant 1 : i32
      %parallel_loop3A_84 = vector.broadcast %parallel_loop3A_83 : i32 to vector<16xi32>
      %parallel_loop3A_85 = arith.cmpi eq, %parallel_loop3A_82, %parallel_loop3A_84 : vector<16xi32>
      %parallel_loop3A_86 = arith.extui %parallel_loop3A_85 : vector<16xi1> to vector<16xi32>
      %parallel_loop3A_87 = arith.addi %parallel_loop3A_62, %parallel_loop3A_70 : vector<16xi32>
      %parallel_loop3A_88 = arith.addi %parallel_loop3A_78, %parallel_loop3A_86 : vector<16xi32>
      %parallel_loop3A_89 = arith.addi %parallel_loop3A_87, %parallel_loop3A_88 : vector<16xi32>
      %parallel_loop3A_90 = arith.constant 6 : i32
      %parallel_loop3A_91 = vector.broadcast %parallel_loop3A_90 : i32 to vector<16xi32>
      %parallel_loop3A_92 = arith.sitofp %parallel_loop3A_89 : vector<16xi32> to vector<16xf32>
      %parallel_loop3A_93 = arith.constant 2.500000e-01 : f32
      %parallel_loop3A_94 = vector.broadcast %parallel_loop3A_93 : f32 to vector<16xf32>
      %parallel_loop3A_95 = arith.mulf %parallel_loop3A_92, %parallel_loop3A_94 : vector<16xf32>
      tpu.vector_store_idx %arg9[%parallel_loop3A_15, %parallel_loop3A_91], %parallel_loop3A_95 : memref<320x7xf32, #tpu.memory_space<vmem>>[vector<16xi32>, vector<16xi32>], vector<16xf32>,
    } {sc.loop_unroll_factor = 1 : i64, sc.parallel_access}
    "tpu.region"() ({
      %run_scoped3A = tpu.sem_alloc : memref<!tpu.dma_semaphore, #tpu.memory_space<semaphore_mem>>
      %dma_start3A_13 = arith.constant 0 : i32
      %dma_start3A_14 = tpu.memref_slice %arg6[%min3A_3, %dma_start3A_13] : memref<10000x7xf32, #tpu.memory_space<hbm>> -> memref<320x7xf32, #tpu.memory_space<hbm>>
      %dma_start3A_15 = arith.constant 0 : i32
      %dma_start3A_16 = tpu.memref_slice %arg6[%min3A_3, %dma_start3A_15] : memref<10000x7xf32, #tpu.memory_space<hbm>> -> memref<320x7xf32, #tpu.memory_space<hbm>>
      tpu.enqueue_dma source(%arg9 : memref<320x7xf32, #tpu.memory_space<vmem>>) target(%dma_start3A_16 : memref<320x7xf32, #tpu.memory_space<hbm>>) target_semaphore(%run_scoped3A : memref<!tpu.dma_semaphore, #tpu.memory_space<semaphore_mem>>)
      %dma_wait3A_17 = arith.constant 0 : i32
      %dma_wait3A_18 = tpu.memref_slice %arg6[%min3A_3, %dma_wait3A_17] : memref<10000x7xf32, #tpu.memory_space<hbm>> -> memref<320x7xf32, #tpu.memory_space<hbm>>
      %dma_wait3A_19 = arith.constant 0 : i32
      %dma_wait3A_20 = tpu.memref_slice %arg6[%min3A_3, %dma_wait3A_19] : memref<10000x7xf32, #tpu.memory_space<hbm>> -> memref<320x7xf32, #tpu.memory_space<hbm>>
      tpu.wait_dma2 semaphore(%run_scoped3A : memref<!tpu.dma_semaphore, #tpu.memory_space<semaphore_mem>>) src(%arg9 : memref<320x7xf32, #tpu.memory_space<vmem>>) dst(%dma_wait3A_20 : memref<320x7xf32, #tpu.memory_space<hbm>>)
      tpu.yield
    }) : () -> ()
    return
  }
}

</mosaic_0001>

<sc_bundles>
// kernel: kernel.3.cloned.1.call-start
scs
__scs_entry_jumppad:
0x0: {  	(pc) =	sbr.rel $0x88, $3  }
0x1: {  	(tag) =	ssettag $0x0;
	lr =	simm.s32 $0x1  }
0x2: {  	[smem:$0x3F9D] =	sst lr;
	_ =	strace $0xD0000000  }
0x3: {  	_ = 	snop  }
0x4: {  	_ = 	snop  }
0x5: {  	_ = 	snop  }
0x6: {  	_ = 	snop  }
0x7: {  	_ = 	snop  }
__scs_overlays_trampoline_lowered:
0x8: {  	[smem:$0x3FAC] =	sst s0  }
0x9: {  	[smem:$0x3FAD] =	sst s1  }
0xa: {  	[smem:$0x3FAE] =	sst s2  }
0xb: {  	[smem:$0x3FAF] =	sst s3  }
0xc: {  	[smem:$0x3FB0] =	sst s4  }
0xd: {  	[smem:$0x3FB1] =	sst s5  }
0xe: {  	[smem:$0x3FB2] =	sst s6  }
0xf: {  	[smem:$0x3FB3] =	sst s7  }
0x10: {  	[smem:$0x3FB4] =	sst s8  }
0x11: {  	[smem:$0x3FB5] =	sst s9;
	s0 =	simm.s32 @!p0 $0x0  }
0x12: {  	s1 =	sld [smem:$0x3F9B];
	s0 =	simm.s32 @p0 $0x1  }
0x13: {  	[smem:$0x3FB6] =	sst s0;
	s0 =	simm.s32 @!p1 $0x0  }
0x14: {  	s2 =	sld [smem:$0x3F9A];
	s0 =	simm.s32 @p1 $0x1  }
0x15: {  	[smem:$0x3FB7] =	sst s0;
	s0 =	simm.s32 @!p2 $0x0  }
0x16: {  	s3 =	sld [smem:$0x3FDB];
	s0 =	simm.s32 @p2 $0x1  }
0x17: {  	s4 =	simm.s32 $0x1BF5;
	[smem:$0x3FB9] =	sst s0  }
0x18: {  	s0 =	sld [smem:$0x3F9C];
	_ =	swait.ge [sflag:s4], $0x0  }
0x19: {  	s7 =	sld [smem:$0x3F9D]  }
0x1a: {  	s8 =	sadd.s32 $0xFFFFE003, lr  }
0x1b: {  	s9 =	sadd.s32 $0xFFFFFEF7, lr;
	s5 =	simm.s32 $0xFFFFFFFF;
	p2 =	slt.u32 s8, $0xFFFFF086  }
0x1c: {  	p1 =	slt.u32 s9, $0xF7A;
	s5 =	simm.s32 @!p2 $0x0  }
0x1d: {  	s5 =	simm.s32 @p1 $0x1;
	p0 =	seq.s32 s7, s2  }
0x1e: {  	s7 =	smul.u32 @!p0 $0xF7A, s2;
	p2 =	seq.s32 @!p0 s5, $0x0  }
0x1f: {  	s9 =	smul.u32 $0xF7A, s1;
	s8 =	simm.s32 @!p0 $0x1BF5;
	p2 =	por !p2, p0  }
0x20: {  	[sflag:s8] =	ssyncset.s32 @!p0 $0xFFFFF086;
	s6 =	sadd.s32 @!p0 s3, s7;
	s7 =	simm.s32 @!p0 $0x108  }
0x21: {  	s3 =	sadd.s32 s3, s9;
	s6 =	sadd.s32 @!p0 $0x88, s6;
	s7 =	simm.s32 @p2 $0x1082  }
0x22: {  	[simem:s7], [sflag:s8] =	dma.local @!p0 [hbm:s6], $0xF7A  }
0x23: {  	s9 =	sor.u32 $0xD0000000, s2;
	s6 =	simm.s32 $0x108;
	_ =	swait.ge @!p0 [sflag:s8], $0x0  }
0x24: {  	s3 =	sadd.s32 $0x88, s3;
	s6 =	simm.s32 @!p1 $0x1082;
	[sflag:s4] =	ssyncset.s32 $0xFFFFF086  }
0x25: {  	[simem:s6], [sflag:s4] =	dma.local [hbm:s3], $0xF7A  }
0x26: {  	[smem:$0x3F9D] =	sst s1;
	(tag) =	ssettag s2;
	_ =	strace s9  }
0x27: {  	s1 =	sld [smem:$0x3FAD]  }
0x28: {  	s2 =	sld [smem:$0x3FAE]  }
0x29: {  	s4 =	sld [smem:$0x3FB0]  }
0x2a: {  	p0 =	seq.s32 s5, $0x0;
	s5 =	sld [smem:$0x3FB1]  }
0x2b: {  	s6 =	sld [smem:$0x3FB2]  }
0x2c: {  	s7 =	sld [smem:$0x3FB3]  }
0x2d: {  	s3 =	simm.s32 $0x108;
	s8 =	sld [smem:$0x3FB4]  }
0x2e: {  	s3 =	simm.s32 @!p0 $0x1082;
	s9 =	sld [smem:$0x3FB5]  }
0x2f: {  	lr =	sadd.s32 s0, s3;
	s0 =	sld [smem:$0x3FAC]  }
0x30: {  	s3 =	sld [smem:$0x3FAF]  }
0x31: {  	[smem:$0x3FB8] =	sst s10  }
0x32: {  	s10 =	sld [smem:$0x3FB6];
	_ =	sdelay $0x3  }
0x33: {  	p0 =	seq.s32 s10, $0x1;
	s10 =	sld [smem:$0x3FB8];
	_ =	sdelay $0x3  }
0x34: {  	[smem:$0x3FB8] =	sst s10  }
0x35: {  	s10 =	sld [smem:$0x3FB7];
	_ =	sdelay $0x3  }
0x36: {  	p1 =	seq.s32 s10, $0x1;
	s10 =	sld [smem:$0x3FB8];
	_ =	sdelay $0x3  }
0x37: {  	[smem:$0x3FB8] =	sst s10  }
0x38: {  	s10 =	sld [smem:$0x3FB9]  }
0x39: {  	_ = 	snop;
	(pc) =	sbr.ind lr, $3  }
0x3a: {  	_ = 	snop  }
0x3b: {  	_ = 	snop  }
0x3c: {  	p2 =	seq.s32 s10, $0x1;
	s10 =	sld [smem:$0x3FB8]  }
0x3d: {  	_ =	shalt  }
0x3e: {  	_ =	shalt  }
0x3f: {  	_ =	shalt  }
0x40: {  	_ =	shalt  }
0x41: {  	_ =	shalt  }
0x42: {  	_ =	shalt  }
0x43: {  	_ =	shalt  }
0x44: {  	_ =	shalt  }
0x45: {  	_ =	shalt  }
0x46: {  	_ =	shalt  }
0x47: {  	_ =	shalt  }
0x48: {  	_ =	shalt  }
0x49: {  	_ =	shalt  }
0x4a: {  	_ =	shalt  }
0x4b: {  	_ =	shalt  }
0x4c: {  	_ =	shalt  }
0x4d: {  	_ =	shalt  }
0x4e: {  	_ =	shalt  }
0x4f: {  	_ =	shalt  }
0x50: {  	_ =	shalt  }
0x51: {  	_ =	shalt  }
0x52: {  	_ =	shalt  }
0x53: {  	_ =	shalt  }
0x54: {  	_ =	shalt  }
0x55: {  	_ =	shalt  }
0x56: {  	_ =	shalt  }
0x57: {  	_ =	shalt  }
0x58: {  	_ =	shalt  }
0x59: {  	_ =	shalt  }
0x5a: {  	_ =	shalt  }
0x5b: {  	_ =	shalt  }
0x5c: {  	_ =	shalt  }
0x5d: {  	_ =	shalt  }
0x5e: {  	_ =	shalt  }
0x5f: {  	_ =	shalt  }
0x60: {  	_ =	shalt  }
0x61: {  	_ =	shalt  }
0x62: {  	_ =	shalt  }
0x63: {  	_ =	shalt  }
0x64: {  	_ =	shalt  }
0x65: {  	_ =	shalt  }
0x66: {  	_ =	shalt  }
0x67: {  	_ =	shalt  }
0x68: {  	_ =	shalt  }
0x69: {  	_ =	shalt  }
0x6a: {  	_ =	shalt  }
0x6b: {  	_ =	shalt  }
0x6c: {  	_ =	shalt  }
0x6d: {  	_ =	shalt  }
0x6e: {  	_ =	shalt  }
0x6f: {  	_ =	shalt  }
0x70: {  	_ =	shalt  }
0x71: {  	_ =	shalt  }
0x72: {  	_ =	shalt  }
0x73: {  	_ =	shalt  }
0x74: {  	_ =	shalt  }
0x75: {  	_ =	shalt  }
0x76: {  	_ =	shalt  }
0x77: {  	_ =	shalt  }
0x78: {  	_ =	shalt  }
0x79: {  	_ =	shalt  }
0x7a: {  	_ =	shalt  }
0x7b: {  	_ =	shalt  }
0x7c: {  	_ =	shalt  }
0x7d: {  	_ =	shalt  }
0x7e: {  	_ =	shalt  }
0x7f: {  	_ =	shalt  }
0x80: {  	_ =	shalt  }
0x81: {  	_ =	shalt  }
0x82: {  	_ =	shalt  }
0x83: {  	_ =	shalt  }
0x84: {  	_ =	shalt  }
0x85: {  	_ =	shalt  }
0x86: {  	_ =	shalt  }
0x87: {  	_ =	shalt  }
.Lfunc_end0:
.L_simem_size_0:
called_computation_lowered:
.L_overlay_start_0:
0x88: {  	s2 =	sld [smem:$0x3FD9]  }
0x89: {  	s3 =	sld [smem:$0x3FFE];
	_ =	sdelay $0x1  }
0x8a: {  	s1 =	srdreg.scid  }
0x8b: {  	s0 =	sand.u32 $0x1, s1  }
0x8c: {  	s17 =	sshll.u32 s0, $0xA;
	s2 =	sadd.s32 s3, s2  }
0x8d: {  	s2 =	sadd.s32 s2, s17  }
0x8e: {  	[smem:$0x3FC4] =	sst s2  }
0x8f: {  	_ = 	snop  }
0x90: {  	s2 =	sld [smem:$0x3FC9]  }
0x91: {  	s18 =	sld [smem:$0x3FD0];
	(tm) =	ssettm $0x1  }
0x92: {  	s4 =	sld [smem:$0x3FFB];
	_ =	sdelay $0x3  }
0x93: {  	_ =	strace s4  }
0x94: {  	s4 =	sld [smem:$0x3FFC];
	_ =	sdelay $0x3  }
0x95: {  	_ =	strace s4  }
0x96: {  	s4 =	sld [smem:$0x3FFD];
	_ =	sdelay $0x3  }
0x97: {  	_ =	strace s4  }
0x98: {  	_ =	strace $0x8FFFFFFF  }
0x99: {  	s19 =	sld [smem:$0x3FDB];
	_ =	sdelay $0x1  }
0x9a: {  	s5 =	simm.s32 $_scs_section_size  }
0x9b: {  	s6 =	simm.s32 $_size__tile_overlayer_lowered;
	s7 =	simm.s32 $_tile_overlayer_lowered  }
0x9c: {  	s22 =	simm.s32 $0x1BFF;
	s21 =	sshll.u32 s7, $0x1;
	s4 =	sadd.s32 s5, s19  }
0x9d: {  	s8 =	simm.s32 $0x0;
	s20 =	sshll.u32 s6, $0x1;
	s6 =	sadd.s32 s21, s4  }
0x9e: {  	[timem:s8], [sflag:s22] =	dma.local [hbm:s6], s20  }
0x9f: {  	_ =	swait.ge [sflag:s22], s20  }
0xa0: {  	s5 =	ssub.s32 $0x0, s20;
	[sflag:s22] =	ssyncset.done $0x0  }
0xa1: {  	[sflag:s22] =	ssyncadd.s32 s5;
	_ =	sdelay $0x1  }
0xa2: {  	s23 =	simm.s32 $0x1B8B  }
0xa3: {  	_ =	swait.ge [sflag:s23], $0x1  }
0xa4: {  	[sflag:s23] =	ssyncset.done $0x0  }
0xa5: {  	s25 =	simm.s32 $0x1B8E;
	s24 =	sld [smem:$0x3FFE];
	[sflag:s23] =	ssyncadd.s32 $0xFFFFFFFF  }
0xa6: {  	s26 =	simm.s32 $execute0_lowered;
	[smem:$0x3FD2] =	sst s25  }
0xa7: {  	s6 =	sshll.u32 s26, $0x1;
	_ =	strace $0x80000046;
	[dreg:$0x1] =	wrdreg $0xFFFFFFFF  }
0xa8: {  	s28 =	simm.s32 $_size_execute0_lowered;
	s4 =	sadd.s32 s4, s6;
	[dreg:$0x0] =	wrdreg $0x0  }
0xa9: {  	s6 =	sshll.u32 s28, $0x1;
	[dreg:$0x2] =	wrdreg s4  }
0xaa: {  	[dreg:$0x3] =	wrdreg s6  }
0xab: {  	[dreg:$0x4] =	wrdreg $0xC0  }
0xac: {  	_ =	task [dreg:s8], $0x5FFFF  }
0xad: {  	[dreg:$0x1] =	wrdreg $0xFFFFFFFF  }
0xae: {  	[dreg:$0x0] =	wrdreg $0x60  }
0xaf: {  	[dreg:$0x2] =	wrdreg s2  }
0xb0: {  	[dreg:$0x3] =	wrdreg s24  }
0xb1: {  	[dreg:$0x4] =	wrdreg s18  }
0xb2: {  	[dreg:$0x5] =	wrdreg $0x9  }
0xb3: {  	_ =	task.clear_ibuf [dreg:s8], $0x6FFFF;
	_ =	strace $0x90000046  }
0xb4: {  	s29 =	simm.s32 $0x9;
	_ =	strace $0x80000048  }
0xb5: {  	_ =	swait.ge [sflag:s29], $0x1  }
0xb6: {  	[sflag:s29] =	ssyncadd.s32 $0xFFFFFFFF  }
0xb7: {  	_ =	strace $0x90000048  }
0xb8: {  	_ =	sfence  }
0xb9: {  	s30 =	sld [smem:$0x0];
	_ =	sdelay $0x2  }
0xba: {  	s31 =	sshll.u32 s1, $0xD;
	s1 =	sshrl.u32 s1, $0x2  }
0xbb: {  	s3 =	sand.u32 $0x4000, s31;
	s1 =	sadd.s32 s1, s30  }
0xbc: {  	s0 =	sor.u32 s3, s0;
	s1 =	sshll.u32 s1, $0x11  }
0xbd: {  	s0 =	sor.u32 s1, s0  }
0xbe: {  	s0 =	sadd.s32 $0x8F2B, s0  }
0xbf: {  	[sflag:s0] =	ssyncadd.remote.s32 $0x1  }
0xc0: {  	_ =	sfence.sel $0xFFFF  }
0xc1: {  	[dreg:$0x0] =	wrdreg $0xFFFFFFFF;
	(pc) =	sbr.abs _section_cstart, $3  }
0xc2: {  	[dreg:$0x1] =	wrdreg $0xFFFFFFFF  }
0xc3: {  	_ =	task.clear_ibuf [dreg:s8], $0x2FFFF;
	_ =	strace $0x9FFFFFFF  }
0xc4: {  	(tm) =	ssettm $0x7FFFFFFF  }
0xc5: {  	_ =	shalt  }
tec
execute0_lowered:
.L_overlay_start_1:
0x0: {  	(tag) =	ssettag $0x1  }
0x1: {  	s1 =	rddreg [dreg:$0x0]  }
0x2: {  	s6 =	rddreg [dreg:$0x1]  }
0x3: {  	s2 =	srdreg.scid;
	s0 =	stileid.u32  }
0x4: {  	s3 =	rddreg [dreg:$0x2];
	s4 =	simm.s32 $0x0;
	s12 =	simm.s32 $0x16800  }
0x5: {  	s13 =	simm.s32 $0x1;
	s14 =	simm.s32 $0xC780;
	s15 =	simm.s32 $0x2  }
0x6: {  	s16 =	simm.s32 $0x0;
	s5 =	sand.u32 $0x1, s2;
	s7 =	sshll.u32 s0, $0x1  }
0x7: {  	s2 =	rddreg [dreg:$0x3];
	s9 =	smul.u32 $0x280, s0;
	s7 =	sor.u32 s5, s7  }
0x8: {  	[smem:$0x7FF] =	sst s4;
	s8 =	ssub.s32 $0x2, s5;
	s7 =	smul.u32 $0x140, s7  }
0x9: {  	_ =	strace $0x80000047;
	s11 =	smul.u32 $0x140, s5;
	s10 =	sshrl.u32 s8, $0x1  }
0xa: {  	s5 =	sadd.s32 $0x27800, s6;
	s8 =	ssub.s32 s8, s10;
	s7 =	smin.u32 s7, $0x25D0  }
0xb: {  	s9 =	sadd.s32 s11, s9;
	s10 =	simm.s32 $0x2780;
	s7 =	sshll.u32 s7, $0x4  }
0xc: {  	v0 =	vlaneseq.u32;
	s11 =	simm.s32 $0x16780;
	s8 =	smax.u32 s8, $0x1;
	s7 =	sadd.s32 s7, s6  }
0xd: {  	v1 =	vimm.f32 $1.000000000e+00;
	v2 =	vimm.s32 $0x0;
	v0 =	vmul.u32 $0x80, v0;
	s9 =	smin.u32 s9, $0x25D0;
	s6 =	sadd.s32 $0x600, s7;
	s7 =	sadd.s32 $0x27A00, s7  }
.LBB2_1:
0xe: {  	[tilespmem:s4], [sflag:$0x1] =	stream.linear.gather [hbm4b:s1+s4], $0x2780, $0x38;
	[tilespmem:$0x16880] =	vst v63  }
0xf: {  	_ = 	snop  }
0x10: {  	[tilespmem:s10], [sflag:$0x1] =	stream.linear.gather [hbm4b:s6+s4], $0xA000, $0x38;
	[tilespmem:$0x16880] =	vst v63  }
0x11: {  	_ = 	snop  }
0x12: {  	[tilespmem:s11], [sflag:$0x1] =	stream.linear.gather [hbm4b:s3+s4], $0x80, $0x38;
	[tilespmem:$0x16880] =	vst v63  }
0x13: {  	_ = 	snop  }
0x14: {  	[tilespmem:s12], [sflag:$0x1] =	stream.linear.gather [hbm4b:s5+s4], $0x80, $0x38;
	[tilespmem:$0x16880] =	vst v63  }
0x15: {  	_ =	swait.ge [sflag:s13], $0x2780  }
0x16: {  	[sflag:s13] =	ssyncset.done $0x0  }
0x17: {  	[sflag:s13] =	ssyncadd.s32 $0xFFFFD880  }
0x18: {  	_ =	swait.ge [sflag:s13], $0xA000  }
0x19: {  	[sflag:s13] =	ssyncset.done $0x0  }
0x1a: {  	[sflag:s13] =	ssyncadd.s32 $0xFFFF6000  }
0x1b: {  	_ =	swait.ge [sflag:s13], $0x80  }
0x1c: {  	[sflag:s13] =	ssyncset.done $0x0  }
0x1d: {  	[sflag:s13] =	ssyncadd.s32 $0xFFFFFF80  }
0x1e: {  	_ =	swait.ge [sflag:s13], $0x80  }
0x1f: {  	[sflag:s13] =	ssyncset.done $0x0  }
0x20: {  	[sflag:s13] =	ssyncadd.s32 $0xFFFFFF80  }
0x21: {  	v6 =	vld [tilespmem:s9+$0x0];
	_ =	sdelay $0x4  }
0x22: {  	v4 =	vshll.u32 v6, $0x2;
	_ =	sdelay $0x1  }
0x23: {  	s17 =	simm.s32 $0x0  }
0x24: {  	v3 =	vmov s17  }
0x25: {  	v3 =	vshll.u32 v3, $0x7  }
0x26: {  	s28 =	sadd.s32 $0x10, s9;
	v5 =	vor.u32 v0, v3;
	v7 =	vld.idx.msk [tilespmem:v4+s11+$0x0], $0xffff  }
0x27: {  	v12 =	vld [tilespmem:s28+$0x0];
	v3 =	vor.u32 $0x1, v4;
	_ =	sdelay $0x3  }
0x28: {  	[tilespmem:v5+s14+$0x0] =	vst.idx.msk $0xffff, v7  }
0x29: {  	v8 =	vshll.u32 v12, $0x2;
	v7 =	vor.u32 $0x1, v5;
	v3 =	vld.idx.msk [tilespmem:v3+s11+$0x0], $0xffff  }
0x2a: {  	v9 =	vor.u32 $0x2, v4  }
0x2b: {  	s18 =	simm.s32 $0x10  }
0x2c: {  	v10 =	vmov s18;
	s17 =	sadd.s32 $0x10, s28  }
0x2d: {  	v10 =	vshll.u32 v10, $0x7;
	v28 =	vld [tilespmem:s17+$0x0]  }
0x2e: {  	v11 =	vld.idx.msk [tilespmem:v8+s11+$0x0], $0xffff;
	[tilespmem:v7+s14+$0x0] =	vst.idx.msk $0xffff, v3;
	v3 =	vor.u32 v0, v10  }
0x2f: {  	v15 =	vor.u32 $0x2, v5;
	v10 =	vor.u32 $0x1, v8;
	v9 =	vld.idx.msk [tilespmem:v9+s11+$0x0], $0xffff  }
0x30: {  	v4 =	vor.u32 $0x3, v4;
	_ =	sdelay $0x2  }
0x31: {  	v16 =	vshll.u32 v28, $0x2;
	[tilespmem:v3+s14+$0x0] =	vst.idx.msk $0xffff, v11  }
0x32: {  	v11 =	vor.u32 $0x1, v3;
	v13 =	vld.idx.msk [tilespmem:v10+s11+$0x0], $0xffff;
	[tilespmem:v15+s14+$0x0] =	vst.idx.msk $0xffff, v9  }
0x33: {  	v18 =	vor.u32 $0x3, v5;
	v9 =	vor.u32 $0x2, v8;
	v4 =	vld.idx.msk [tilespmem:v4+s11+$0x0], $0xffff;
	_ =	sdelay $0x1  }
0x34: {  	s29 =	simm.s32 $0x20  }
0x35: {  	v14 =	vmov s29;
	s17 =	sadd.s32 $0x10, s17;
	v17 =	vld.idx.msk [tilespmem:v16+s11+$0x0], $0xffff  }
0x36: {  	v14 =	vshll.u32 v14, $0x7;
	v10 =	vld [tilespmem:s17+$0x0];
	[tilespmem:v11+s14+$0x0] =	vst.idx.msk $0xffff, v13  }
0x37: {  	[tilespmem:v18+s14+$0x0] =	vst.idx.msk $0xffff, v4;
	v4 =	vor.u32 v0, v14;
	v9 =	vld.idx.msk [tilespmem:v9+s11+$0x0], $0xffff  }
0x38: {  	v13 =	vor.u32 $0x2, v3;
	v14 =	vor.u32 $0x1, v16;
	v6 =	vld.idx.msk [tilespmem:v6+s12+$0x0], $0xffff  }
0x39: {  	v19 =	vor.u32 $0x3, v8;
	_ =	sdelay $0x2  }
0x3a: {  	v20 =	vor.u32 $0x4, v5;
	[tilespmem:v4+s14+$0x0] =	vst.idx.msk $0xffff, v17  }
0x3b: {  	v21 =	vshll.u32 v10, $0x2;
	v8 =	vor.u32 $0x1, v4;
	[tilespmem:v13+s14+$0x0] =	vst.idx.msk $0xffff, v9;
	v17 =	vld.idx.msk [tilespmem:v14+s11+$0x0], $0xffff;
	v6 =	vcvt.s32.f32 v6  }
0x3c: {  	v22 =	vor.u32 $0x2, v16;
	v19 =	vld.idx.msk [tilespmem:v19+s11+$0x0], $0xffff;
	v14 =	vor.u32 $0x3, v3  }
0x3d: {  	v23 =	vor.u32 $0x5, v5;
	v6 =	vmul.f32 $6.250000000e-02, v6  }
0x3e: {  	s17 =	sadd.s32 $0x10, s17  }
0x3f: {  	s30 =	simm.s32 $0x30;
	v9 =	vld [tilespmem:s17+$0x0];
	[tilespmem:v20+s14+$0x0] =	vst.idx.msk $0xffff, v6  }
0x40: {  	v24 =	vmov s30;
	v20 =	vld.idx.msk [tilespmem:v21+s11+$0x0], $0xffff;
	[tilespmem:v8+s14+$0x0] =	vst.idx.msk $0xffff, v17  }
0x41: {  	v6 =	vshll.u32 v24, $0x7;
	[tilespmem:v14+s14+$0x0] =	vst.idx.msk $0xffff, v19;
	v22 =	vld.idx.msk [tilespmem:v22+s11+$0x0], $0xffff  }
0x42: {  	v6 =	vor.u32 v0, v6;
	[tilespmem:v23+s14+$0x0] =	vst.idx.msk $0xffff, v1;
	v25 =	vld.idx.msk [tilespmem:v12+s12+$0x0], $0xffff  }
0x43: {  	v24 =	vor.u32 $0x1, v21;
	v17 =	vor.u32 $0x2, v4;
	v23 =	vld.idx.msk [tilespmem:v5+s10+$0x0], $0xffff  }
0x44: {  	v12 =	vor.u32 $0x3, v16;
	v7 =	vld.idx.msk [tilespmem:v7+s10+$0x0], $0xffff  }
0x45: {  	v19 =	vshll.u32 v9, $0x2;
	v26 =	vld.idx.msk [tilespmem:v15+s10+$0x0], $0xffff  }
0x46: {  	s17 =	sadd.s32 $0x10, s17;
	v18 =	vld.idx.msk [tilespmem:v18+s10+$0x0], $0xffff  }
0x47: {  	v16 =	vld [tilespmem:s17+$0x0];
	[tilespmem:v6+s14+$0x0] =	vst.idx.msk $0xffff, v20  }
0x48: {  	v20 =	vor.u32 $0x4, v3;
	v29 =	vld.idx.msk [tilespmem:v24+s11+$0x0], $0xffff;
	[tilespmem:v17+s14+$0x0] =	vst.idx.msk $0xffff, v22  }
0x49: {  	v22 =	vcvt.s32.f32 v25;
	v30 =	vld.idx.msk [tilespmem:v12+s11+$0x0], $0xffff;
	v12 =	vor.u32 $0x1, v6  }
0x4a: {  	v31 =	vor.u32 $0x2, v21;
	v15 =	vor.u32 $0x3, v4;
	v27 =	vld.idx.msk [tilespmem:v19+s11+$0x0], $0xffff  }
0x4b: {  	v32 =	vor.u32 $0x5, v3;
	v22 =	vmul.f32 $6.250000000e-02, v22;
	v23 =	vld.idx.msk [tilespmem:v23+s4+$0x0], $0xffff  }
0x4c: {  	s18 =	simm.s32 $0x50;
	v24 =	vld.idx.msk [tilespmem:v7+s4+$0x0], $0xffff  }
0x4d: {  	s31 =	simm.s32 $0x40;
	v25 =	vmov s18;
	[tilespmem:v20+s14+$0x0] =	vst.idx.msk $0xffff, v22;
	v20 =	vld.idx.msk [tilespmem:v26+s4+$0x0], $0xffff  }
0x4e: {  	v25 =	vshll.u32 v25, $0x7;
	v7 =	vmov s31;
	v22 =	vld.idx.msk [tilespmem:v18+s4+$0x0], $0xffff;
	[tilespmem:v12+s14+$0x0] =	vst.idx.msk $0xffff, v29  }
0x4f: {  	v7 =	vshll.u32 v7, $0x7;
	v26 =	vor.u32 $0x3, v21;
	v18 =	vor.u32 $0x3, v19;
	[tilespmem:v15+s14+$0x0] =	vst.idx.msk $0xffff, v30;
	v29 =	vld.idx.msk [tilespmem:v31+s11+$0x0], $0xffff  }
0x50: {  	v21 =	vor.u32 $0x2, v6;
	v7 =	vor.u32 v0, v7;
	[tilespmem:v32+s14+$0x0] =	vst.idx.msk $0xffff, v1;
	v30 =	vor.u32 $0x1, v19;
	v28 =	vld.idx.msk [tilespmem:v28+s12+$0x0], $0xffff  }
.LBB2_2:
0x51: {  	s18 =	sadd.s32 $0x10, s18;
	v31 =	vor.u32 $0x1, v7;
	v32 =	vor.u32 $0x4, v4;
	v33 =	vld.idx.msk [tilespmem:v3+s10+$0x0], $0xffff;
	v34 =	vmov v16  }
0x52: {  	vm0 =	veq.s32 v23, $0x1;
	vm1 =	veq.s32 v24, $0x1;
	v16 =	vmov s18;
	p0 =	slt.u32 s18, $0x130;
	v35 =	vld.idx.msk [tilespmem:v11+s10+$0x0], $0xffff;
	v11 =	vmovc v8;
	v8 =	vmovc v12  }
0x53: {  	v23 =	vshll.u32 v34, $0x2;
	v24 =	vsel vm0, $0x1, v2;
	v37 =	vsel vm1, $0x1, v2;
	v12 =	vmovc v31;
	v36 =	vld.idx.msk [tilespmem:v13+s10+$0x0], $0xffff;
	v13 =	vmovc v17  }
0x54: {  	vm0 =	veq.s32 v20, $0x1;
	vm1 =	veq.s32 v22, $0x1;
	v17 =	vadd.s32 v24, v37;
	[tilespmem:v7+s14+$0x0] =	vst.idx.msk $0xffff, v27;
	v31 =	vld.idx.msk [tilespmem:v14+s10+$0x0], $0xffff  }
0x55: {  	v37 =	vshll.u32 v16, $0x7;
	v16 =	vor.u32 $0x3, v23;
	v22 =	vsel vm0, $0x1, v2;
	v14 =	vmovc v15;
	v20 =	vld.idx.msk [tilespmem:v30+s11+$0x0], $0xffff;
	[tilespmem:v21+s14+$0x0] =	vst.idx.msk $0xffff, v29  }
0x56: {  	s17 =	sadd.s32 $0x10, s17;
	v27 =	vsel vm1, $0x1, v2;
	v17 =	vadd.s32 v22, v17;
	v24 =	vcvt.s32.f32 v28;
	v29 =	vld.idx.msk [tilespmem:v26+s11+$0x0], $0xffff;
	v26 =	vmovc v18;
	v18 =	vmovc v16  }
0x57: {  	v15 =	vor.u32 $0x3, v6;
	v40 =	vadd.s32 v27, v17;
	v28 =	vor.u32 $0x6, v5;
	v5 =	vmovc v3;
	v3 =	vmovc v4;
	v16 =	vld [tilespmem:s17+$0x0]  }
0x58: {  	v30 =	vor.u32 $0x2, v19;
	v19 =	vmovc v23;
	v4 =	vmovc v6;
	v38 =	vcvt.s32.f32 v40;
	v22 =	vmul.f32 $6.250000000e-02, v24;
	v27 =	vld.idx.msk [tilespmem:v23+s11+$0x0], $0xffff  }
0x59: {  	v6 =	vmov v7;
	v39 =	vor.u32 $0x5, v3;
	v17 =	vmov v21;
	v23 =	vld.idx.msk [tilespmem:v33+s4+$0x0], $0xffff  }
.Ltmp0:
0x5a: {  	v21 =	vmul.f32 $2.500000000e-01, v38;
	[tilespmem:v32+s14+$0x0] =	vst.idx.msk $0xffff, v22;
	v24 =	vld.idx.msk [tilespmem:v35+s4+$0x0], $0xffff;
	(pc) =	sbr.rel @p0 .LBB2_2-.Ltmp0, $4  }
0x5b: {  	[tilespmem:v12+s14+$0x0] =	vst.idx.msk $0xffff, v20;
	v20 =	vld.idx.msk [tilespmem:v36+s4+$0x0], $0xffff  }
0x5c: {  	[tilespmem:v15+s14+$0x0] =	vst.idx.msk $0xffff, v29;
	v22 =	vld.idx.msk [tilespmem:v31+s4+$0x0], $0xffff  }
0x5d: {  	v7 =	vor.u32 v0, v25;
	v25 =	vmov v37;
	v29 =	vld.idx.msk [tilespmem:v30+s11+$0x0], $0xffff;
	[tilespmem:v28+s14+$0x0] =	vst.idx.msk $0xffff, v21  }
0x5e: {  	v30 =	vor.u32 $0x1, v19;
	v21 =	vor.u32 $0x2, v6;
	v28 =	vld.idx.msk [tilespmem:v10+s12+$0x0], $0xffff;
	[tilespmem:v39+s14+$0x0] =	vst.idx.msk $0xffff, v1;
	v10 =	vmovc v9;
	v9 =	vmov v34  }
0x5f: {  	_ =	sdelay $0x2  }
0x60: {  	v32 =	vshll.u32 v16, $0x2  }
0x61: {  	v31 =	vld.idx.msk [tilespmem:v3+s10+$0x0], $0xffff;
	[tilespmem:v7+s14+$0x0] =	vst.idx.msk $0xffff, v27  }
0x62: {  	v27 =	vor.u32 $0x1, v7;
	v30 =	vld.idx.msk [tilespmem:v30+s11+$0x0], $0xffff  }
0x63: {  	v33 =	vld.idx.msk [tilespmem:v11+s10+$0x0], $0xffff;
	v19 =	vor.u32 $0x2, v19;
	[tilespmem:v21+s14+$0x0] =	vst.idx.msk $0xffff, v29  }
0x64: {  	v60 =	vor.u32 $0x3, v6;
	v26 =	vld.idx.msk [tilespmem:v26+s11+$0x0], $0xffff  }
0x65: {  	v11 =	vor.u32 v0, v25;
	v34 =	vld.idx.msk [tilespmem:v32+s11+$0x0], $0xffff  }
0x66: {  	v61 =	vor.u32 $0x4, v4;
	v13 =	vld.idx.msk [tilespmem:v13+s10+$0x0], $0xffff;
	v35 =	vor.u32 $0x1, v32  }
0x67: {  	v14 =	vld.idx.msk [tilespmem:v14+s10+$0x0], $0xffff;
	v36 =	vor.u32 $0x5, v4;
	v28 =	vcvt.s32.f32 v28;
	[tilespmem:v27+s14+$0x0] =	vst.idx.msk $0xffff, v30  }
0x68: {  	v19 =	vld.idx.msk [tilespmem:v19+s11+$0x0], $0xffff  }
0x69: {  	v28 =	vmul.f32 $6.250000000e-02, v28;
	v31 =	vld.idx.msk [tilespmem:v31+s4+$0x0], $0xffff;
	[tilespmem:v60+s14+$0x0] =	vst.idx.msk $0xffff, v26  }
0x6a: {  	v26 =	vor.u32 $0x2, v7;
	v10 =	vld.idx.msk [tilespmem:v10+s12+$0x0], $0xffff;
	[tilespmem:v11+s14+$0x0] =	vst.idx.msk $0xffff, v34  }
0x6b: {  	v25 =	vor.u32 $0x1, v11;
	[tilespmem:v61+s14+$0x0] =	vst.idx.msk $0xffff, v28;
	v62 =	vld.idx.msk [tilespmem:v35+s11+$0x0], $0xffff  }
0x6c: {  	v39 =	vor.u32 $0x2, v32;
	v63 =	vld.idx.msk [tilespmem:v33+s4+$0x0], $0xffff;
	[tilespmem:v36+s14+$0x0] =	vst.idx.msk $0xffff, v1  }
0x6d: {  	v40 =	vld.idx.msk [tilespmem:v4+s10+$0x0], $0xffff  }
0x6e: {  	v13 =	vld.idx.msk [tilespmem:v13+s4+$0x0], $0xffff  }
0x6f: {  	v41 =	vor.u32 $0x4, v6;
	v14 =	vld.idx.msk [tilespmem:v14+s4+$0x0], $0xffff;
	[tilespmem:v26+s14+$0x0] =	vst.idx.msk $0xffff, v19  }
0x70: {  	v42 =	vor.u32 $0x3, v7;
	v18 =	vld.idx.msk [tilespmem:v18+s11+$0x0], $0xffff;
	v10 =	vcvt.s32.f32 v10;
	[tilespmem:v25+s14+$0x0] =	vst.idx.msk $0xffff, v62  }
0x71: {  	v43 =	vor.u32 $0x2, v11;
	v28 =	vld.idx.msk [tilespmem:v39+s11+$0x0], $0xffff  }
0x72: {  	v44 =	vor.u32 $0x5, v6;
	v32 =	vor.u32 $0x3, v32;
	v8 =	vld.idx.msk [tilespmem:v8+s10+$0x0], $0xffff;
	v10 =	vmul.f32 $6.250000000e-02, v10  }
0x73: {  	v17 =	vld.idx.msk [tilespmem:v17+s10+$0x0], $0xffff  }
0x74: {  	v45 =	vld.idx.msk [tilespmem:v15+s10+$0x0], $0xffff;
	[tilespmem:v41+s14+$0x0] =	vst.idx.msk $0xffff, v10  }
0x75: {  	v46 =	vld.idx.msk [tilespmem:v40+s4+$0x0], $0xffff;
	[tilespmem:v42+s14+$0x0] =	vst.idx.msk $0xffff, v18  }
0x76: {  	v9 =	vld.idx.msk [tilespmem:v9+s12+$0x0], $0xffff;
	[tilespmem:v43+s14+$0x0] =	vst.idx.msk $0xffff, v28  }
0x77: {  	v48 =	vor.u32 $0x3, v11;
	[tilespmem:v44+s14+$0x0] =	vst.idx.msk $0xffff, v1;
	v47 =	vld.idx.msk [tilespmem:v32+s11+$0x0], $0xffff  }
0x78: {  	v49 =	vld.idx.msk [tilespmem:v6+s10+$0x0], $0xffff  }
0x79: {  	v12 =	vld.idx.msk [tilespmem:v12+s10+$0x0], $0xffff  }
0x7a: {  	v21 =	vld.idx.msk [tilespmem:v21+s10+$0x0], $0xffff  }
0x7b: {  	v29 =	vld.idx.msk [tilespmem:v60+s10+$0x0], $0xffff  }
0x7c: {  	v8 =	vld.idx.msk [tilespmem:v8+s4+$0x0], $0xffff;
	[tilespmem:v48+s14+$0x0] =	vst.idx.msk $0xffff, v47  }
0x7d: {  	vm0 =	veq.s32 v23, $0x1;
	vm1 =	veq.s32 v24, $0x1;
	v50 =	vor.u32 $0x4, v7;
	v51 =	vld.idx.msk [tilespmem:v16+s12+$0x0], $0xffff  }
0x7e: {  	v52 =	vor.u32 $0x5, v7;
	v23 =	vsel vm0, $0x1, v2;
	v17 =	vld.idx.msk [tilespmem:v17+s4+$0x0], $0xffff;
	v9 =	vcvt.s32.f32 v9  }
0x7f: {  	v53 =	vsel vm1, $0x1, v2;
	vm6 =	veq.s32 v20, $0x1;
	vm7 =	veq.s32 v22, $0x1;
	v10 =	vld.idx.msk [tilespmem:v45+s4+$0x0], $0xffff  }
0x80: {  	v54 =	vadd.s32 v23, v53;
	v55 =	vsel vm6, $0x1, v2;
	v9 =	vmul.f32 $6.250000000e-02, v9;
	v56 =	vld.idx.msk [tilespmem:v49+s4+$0x0], $0xffff  }
0x81: {  	v58 =	vor.u32 $0x4, v11;
	v57 =	vsel vm7, $0x1, v2;
	v20 =	vadd.s32 v55, v54;
	v12 =	vld.idx.msk [tilespmem:v12+s4+$0x0], $0xffff  }
0x82: {  	v20 =	vadd.s32 v57, v20;
	v60 =	vor.u32 $0x5, v11;
	v59 =	vld.idx.msk [tilespmem:v21+s4+$0x0], $0xffff;
	[tilespmem:v50+s14+$0x0] =	vst.idx.msk $0xffff, v9;
	v16 =	vcvt.s32.f32 v51  }
0x83: {  	v20 =	vcvt.s32.f32 v20;
	v61 =	vld.idx.msk [tilespmem:v29+s4+$0x0], $0xffff;
	[tilespmem:v52+s14+$0x0] =	vst.idx.msk $0xffff, v1  }
0x84: {  	v5 =	vor.u32 $0x6, v5;
	v3 =	vor.u32 $0x6, v3;
	v24 =	vld.idx.msk [tilespmem:v7+s10+$0x0], $0xffff;
	v16 =	vmul.f32 $6.250000000e-02, v16  }
0x85: {  	v20 =	vmul.f32 $2.500000000e-01, v20;
	vm8 =	veq.s32 v31, $0x1;
	vm9 =	veq.s32 v63, $0x1;
	v27 =	vld.idx.msk [tilespmem:v27+s10+$0x0], $0xffff  }
0x86: {  	vm10 =	veq.s32 v13, $0x1;
	vm12 =	veq.s32 v46, $0x1;
	vm13 =	veq.s32 v8, $0x1;
	v63 =	vld.idx.msk [tilespmem:v26+s10+$0x0], $0xffff;
	[tilespmem:v58+s14+$0x0] =	vst.idx.msk $0xffff, v16  }
0x87: {  	vm14 =	veq.s32 v17, $0x1;
	v15 =	vsel vm12, $0x1, v2;
	v32 =	vsel vm13, $0x1, v2;
	v19 =	vld.idx.msk [tilespmem:v42+s10+$0x0], $0xffff;
	[tilespmem:v60+s14+$0x0] =	vst.idx.msk $0xffff, v1  }
0x88: {  	vm15 =	veq.s32 v10, $0x1;
	v36 =	vsel vm14, $0x1, v2;
	v35 =	vadd.s32 v15, v32;
	v31 =	vld.idx.msk [tilespmem:v11+s10+$0x0], $0xffff  }
0x89: {  	vm11 =	veq.s32 v14, $0x1;
	v38 =	vsel vm15, $0x1, v2;
	v10 =	vadd.s32 v36, v35;
	v34 =	vld.idx.msk [tilespmem:v25+s10+$0x0], $0xffff  }
0x8a: {  	v30 =	vsel vm9, $0x1, v2;
	v62 =	vsel vm8, $0x1, v2;
	v10 =	vadd.s32 v38, v10;
	v37 =	vld.idx.msk [tilespmem:v43+s10+$0x0], $0xffff  }
0x8b: {  	v10 =	vcvt.s32.f32 v10;
	v29 =	vsel vm10, $0x1, v2;
	v26 =	vadd.s32 v62, v30;
	v39 =	vld.idx.msk [tilespmem:v48+s10+$0x0], $0xffff  }
0x8c: {  	v49 =	vor.u32 $0x6, v6;
	v30 =	vsel vm11, $0x1, v2;
	v14 =	vadd.s32 v29, v26;
	v40 =	vld.idx.msk [tilespmem:v24+s4+$0x0], $0xffff  }
0x8d: {  	v14 =	vadd.s32 v30, v14;
	vm4 =	veq.s32 v56, $0x1;
	vm5 =	veq.s32 v12, $0x1;
	v41 =	vld.idx.msk [tilespmem:v27+s4+$0x0], $0xffff  }
0x8e: {  	vm6 =	veq.s32 v59, $0x1;
	v42 =	vsel vm4, $0x1, v2;
	v43 =	vsel vm5, $0x1, v2;
	v44 =	vld.idx.msk [tilespmem:v63+s4+$0x0], $0xffff  }
0x8f: {  	vm7 =	veq.s32 v61, $0x1;
	v46 =	vsel vm6, $0x1, v2;
	v19 =	vld.idx.msk [tilespmem:v19+s4+$0x0], $0xffff;
	v45 =	vadd.s32 v42, v43  }
0x90: {  	v14 =	vcvt.s32.f32 v14;
	v47 =	vsel vm7, $0x1, v2;
	v13 =	vadd.s32 v46, v45;
	v8 =	vld.idx.msk [tilespmem:v31+s4+$0x0], $0xffff  }
0x91: {  	v10 =	vmul.f32 $2.500000000e-01, v10;
	v59 =	vor.u32 $0x6, v7;
	v13 =	vadd.s32 v47, v13;
	v17 =	vld.idx.msk [tilespmem:v34+s4+$0x0], $0xffff  }
0x92: {  	v14 =	vmul.f32 $2.500000000e-01, v14;
	v48 =	vor.u32 $0x6, v4;
	v13 =	vcvt.s32.f32 v13;
	v50 =	vld.idx.msk [tilespmem:v37+s4+$0x0], $0xffff  }
0x93: {  	vm8 =	veq.s32 v40, $0x1;
	vm9 =	veq.s32 v41, $0x1;
	vm10 =	veq.s32 v44, $0x1;
	v53 =	vld.idx.msk [tilespmem:v39+s4+$0x0], $0xffff  }
0x94: {  	vm11 =	veq.s32 v19, $0x1;
	v51 =	vsel vm8, $0x1, v2;
	v52 =	vsel vm9, $0x1, v2  }
0x95: {  	v55 =	vsel vm10, $0x1, v2;
	v56 =	vsel vm11, $0x1, v2;
	v54 =	vadd.s32 v51, v52  }
0x96: {  	v15 =	vadd.s32 v55, v54;
	vm12 =	veq.s32 v8, $0x1;
	vm13 =	veq.s32 v17, $0x1  }
0x97: {  	vm14 =	veq.s32 v50, $0x1;
	v8 =	vsel vm12, $0x1, v2;
	v57 =	vsel vm13, $0x1, v2  }
0x98: {  	vm15 =	veq.s32 v53, $0x1;
	v58 =	vsel vm14, $0x1, v2;
	v8 =	vadd.s32 v8, v57  }
0x99: {  	v15 =	vadd.s32 v56, v15;
	v60 =	vsel vm15, $0x1, v2;
	v8 =	vadd.s32 v58, v8  }
0x9a: {  	[tilespmem:v5+s14+$0x0] =	vst.idx.msk $0xffff, v20;
	v62 =	vor.u32 $0x6, v11;
	v61 =	vcvt.s32.f32 v15;
	v8 =	vadd.s32 v60, v8  }
0x9b: {  	[tilespmem:v3+s14+$0x0] =	vst.idx.msk $0xffff, v14;
	v3 =	vmul.f32 $2.500000000e-01, v13;
	v8 =	vcvt.s32.f32 v8  }
0x9c: {  	[tilespmem:v48+s14+$0x0] =	vst.idx.msk $0xffff, v10;
	v63 =	vmul.f32 $2.500000000e-01, v61  }
0x9d: {  	s16 =	sadd.s32 $0x1, s16;
	[tilespmem:v49+s14+$0x0] =	vst.idx.msk $0xffff, v3;
	v3 =	vmul.f32 $2.500000000e-01, v8  }
0x9e: {  	p0 =	sne.s32 s16, s8;
	[tilespmem:v59+s14+$0x0] =	vst.idx.msk $0xffff, v63  }
.Ltmp1:
0x9f: {  	[tilespmem:v62+s14+$0x0] =	vst.idx.msk $0xffff, v3;
	(pc) =	sbr.rel @p0 .LBB2_1-.Ltmp1, $4  }
0xa0: {  	[hbm4b:s7+s4] =	stream.linear.scatter [tilespmem:s14], [sflag:$0x2], $0xA000, $0x38;
	[tilespmem:$0x16880] =	vst v63  }
0xa1: {  	_ =	swait.ge [sflag:s15], $0xA000  }
0xa2: {  	[sflag:s15] =	ssyncset.done $0x0  }
0xa3: {  	[sflag:s15] =	ssyncadd.s32 $0xFFFF6000  }
0xa4: {  	_ =	sfence.sel $0x180000  }
0xa5: {  	[bflag:$0x0] =	sbarrier.arrive $0xFFFF  }
0xa6: {  	p0 =	sne.s32 s0, $0x0;
	_ =	strace $0x90000047  }
0xa7: {  	s0 =	sadd.s32 @!p0 $0x100000, s2;
	[bflag:$0x2] =	sbarrier.arrive $0xFFFF  }
0xa8: {  	[sflag:s0] =	ssyncadd.tile.s32 @!p0 $0x1;
	_ =	shalt  }
.Lfunc_end2:
_tile_overlayer_lowered:
.L_overlay_start_2:
0xa9: {  	(tag) =	ssettag $0x2  }
0xaa: {  	s0 =	rddreg [dreg:$0x0];
	s2 =	stileid.u32  }
0xab: {  	s1 =	rddreg [dreg:$0x1];
	p0 =	sne.s32 s2, $0x0  }
0xac: {  	s3 =	rddreg [dreg:$0x2];
	[bflag:$0x3] =	sbarrier.arrive $0xFFFF;
	s2 =	simm.s32 @!p0 $0x1C02  }
0xad: {  	[timem:s3], [sflag:s2] =	dma.local @!p0 [hbm:s0], s1  }
0xae: {  	s0 =	simm.s32 @!p0 $0x2  }
0xaf: {  	_ =	swait.ge @!p0 [sflag:s0], s1  }
0xb0: {  	s1 =	ssub.s32 @!p0 $0x0, s1;
	[sflag:s0] =	ssyncset.done @!p0 $0x0  }
0xb1: {  	[sflag:s0] =	ssyncadd.s32 @!p0 s1  }
0xb2: {  	[bflag:$0x3] =	sbarrier.arrive $0xFFFF  }
0xb3: {  	_ =	shalt  }

</sc_bundles>
